<compile_context>
chip_gen: v7x
topology: tpu7x:2x2x1
jax: 0.10.2.dev20260603
libtpu: 0.0.44.dev20260713+nightly
codegen_flags: <defaults>
</compile_context>

<pallas_src>
import functools

import jax
import jax.numpy as jnp
from jax import lax
from jax.experimental import pallas as pl
from jax.experimental.pallas import tpu as pltpu
from jax.experimental.pallas import tpu_sc as plsc

BATCH = 16384
NUM_FEATURES = 100
NUM_BUCKETS = 20
EMBED_DIM = 32
TOTAL = BATCH * NUM_FEATURES

NUM_WORKERS = 32
PER_W = TOTAL // NUM_WORKERS
CHUNK = 1024
NCHUNKS = PER_W // CHUNK


def _bucketize_body(x_ref, b_ref, out_ref):
    x = x_ref[...]
    x_min = jnp.min(x, axis=0, keepdims=True)
    x_max = jnp.max(x, axis=0, keepdims=True)
    xn = (x - x_min) / (x_max - x_min + 1e-08)
    bs = jax.nn.sigmoid(b_ref[...])
    cnt = (xn > 0.0).astype(jnp.int32)
    for k in range(NUM_BUCKETS - 1):
        cnt = cnt + (xn > bs[0:1, k : k + 1]).astype(jnp.int32)
    idx = jnp.clip(cnt - 1, 0, NUM_BUCKETS - 1)
    feat = lax.broadcasted_iota(jnp.int32, (BATCH, NUM_FEATURES), 1)
    out_ref[...] = idx + feat * NUM_BUCKETS


def _flat_indices(x, boundaries):
    return pl.pallas_call(
        _bucketize_body,
        out_shape=jax.ShapeDtypeStruct((BATCH, NUM_FEATURES), jnp.int32),
    )(x, boundaries.reshape(1, NUM_BUCKETS - 1))


def _sc_gather_body(table_hbm, idx_hbm, out_hbm, idx_v, rows_v, sem):
    wid = lax.axis_index("s") * 2 + lax.axis_index("c")
    base = wid * PER_W

    def body(c, carry):
        off = base + c * CHUNK
        pltpu.sync_copy(idx_hbm.at[pl.ds(off, CHUNK)], idx_v)
        pltpu.async_copy(table_hbm.at[idx_v], rows_v, sem).wait()
        pltpu.sync_copy(rows_v, out_hbm.at[pl.ds(off, CHUNK)])
        return carry

    lax.fori_loop(0, NCHUNKS, body, 0)


_sc_gather = functools.partial(
    pl.kernel,
    out_type=jax.ShapeDtypeStruct((TOTAL, EMBED_DIM), jnp.float32),
    mesh=plsc.VectorSubcoreMesh(core_axis_name="c", subcore_axis_name="s"),
    compiler_params=pltpu.CompilerParams(use_tc_tiling_on_sc=False),
    scratch_types=[
        pltpu.VMEM((CHUNK,), jnp.int32),
        pltpu.VMEM((CHUNK, EMBED_DIM), jnp.float32),
        pltpu.SemaphoreType.DMA,
    ],
)(_sc_gather_body)


@jax.jit
def kernel(x, boundaries, emb_tables):
    flat_idx = _flat_indices(x, boundaries).reshape(TOTAL)
    table = emb_tables.reshape(NUM_FEATURES * NUM_BUCKETS, EMBED_DIM)
    out = _sc_gather(table, flat_idx)
    return out.reshape(BATCH, NUM_FEATURES, EMBED_DIM)

# --- scband reference (transcript-rebuilt; emitter-appended) ---
"""Pipeline reference for scband-bucket-embedding-75488345194695 (READ-ONLY COPY).

The authoritative reference and input builder live on the scoring server;
editing this copy changes nothing except your own understanding.
"""

import jax, jax.numpy as jnp
import numpy as np

BATCH = 16384
NUM_FEATURES = 100
NUM_BUCKETS = 20
EMBED_DIM = 32


def setup_inputs(seed: int = 0) -> dict:
    key = jax.random.key(seed)
    k1, k2 = jax.random.split(key, 2)
    x = jax.random.uniform(k1, (BATCH, NUM_FEATURES), dtype=jnp.float32)
    # learned params per init_kwargs
    boundaries = jnp.linspace(0.0, 1.0, NUM_BUCKETS - 1).astype(jnp.float32)
    # stacked per-feature embedding tables: [num_features, num_buckets, embedding_dim]
    emb_tables = jax.random.normal(k2, (NUM_FEATURES, NUM_BUCKETS, EMBED_DIM), dtype=jnp.float32)
    return {"x": x, "boundaries": boundaries, "emb_tables": emb_tables}


def reference(x, boundaries, emb_tables):
    # per-feature min/max normalization over the batch
    x_min = jnp.min(x, axis=0, keepdims=True)
    x_max = jnp.max(x, axis=0, keepdims=True)
    x_norm = (x - x_min) / (x_max - x_min + 1e-08)
    # learnable bucket boundaries squashed to (0,1), padded with 0 and 1
    bounds = jax.nn.sigmoid(boundaries)
    bounds = jnp.concatenate([
        jnp.array([0.0], dtype=bounds.dtype),
        bounds,
        jnp.array([1.0], dtype=bounds.dtype),
    ])
    # torch.bucketize(right=False) == searchsorted side='left'
    indices = jnp.searchsorted(bounds, x_norm, side='left') - 1
    indices = jnp.clip(indices, 0, NUM_BUCKETS - 1)  # [B, F] int
    # gather per-feature embeddings: out[b, f] = emb_tables[f, indices[b, f]]
    feat_idx = jnp.arange(NUM_FEATURES)[None, :]  # [1, F]
    out = emb_tables[feat_idx, indices]  # [B, F, D]
    return out

if __name__ == "__main__":
    import jax
    _d = setup_inputs()
    print(jax.jit(kernel)(*tuple(_d.values())))

</pallas_src>

<mosaic_0001>
#map = affine_map<(d0, d1) -> (0, 0)>
#map1 = affine_map<(d0, d1) -> (0)>
module attributes {stable_mosaic.version = 14 : i64} {
  func.func @_sc_gather_body(%arg0: i32, %arg1: i32, %arg2: memref<2000x32xf32, #tpu.memory_space<hbm>>, %arg3: memref<1638400xi32, #tpu.memory_space<hbm>>, %arg4: memref<1638400x32xf32, #tpu.memory_space<hbm>>, %arg5: memref<1024xi32, #tpu.memory_space<vmem>>, %arg6: memref<1024x32xf32, #tpu.memory_space<vmem>>, %arg7: memref<!tpu.dma_semaphore, #tpu.memory_space<semaphore_mem>>) attributes {dimension_semantics = [#tpu.dimension_semantics<core_parallel>, #tpu.dimension_semantics<subcore_parallel>], iteration_bounds = array<i64: 2, 16>, scalar_prefetch = 0 : i64, scratch_operands = 3 : i64, tpu.core_type = #tpu.core_type<sc_vector_subcore>, window_params = [{transform_indices = #map}, {transform_indices = #map1}, {transform_indices = #map}]} {
    %mul3A = arith.constant 2 : i32
    %mul3A_0 = arith.muli %arg1, %mul3A : i32
    %add3A = arith.addi %mul3A_0, %arg0 : i32
    %mul3A_1 = arith.constant 51200 : i32
    %mul3A_2 = arith.muli %add3A, %mul3A_1 : i32
    %scan3A = arith.constant 0 : i32
    %scan3A_3 = arith.constant 0 : i32
    %scan3A_4 = arith.constant 50 : i32
    %scan3A_5 = arith.addi %scan3A_3, %scan3A_4 : i32
    %scan3A_6 = arith.constant 1 : i32
    scf.for %scan3A_8 = %scan3A_3 to %scan3A_5 step %scan3A_6  : i32 {
      %mul3A_9 = arith.constant 1024 : i32
      %mul3A_10 = arith.muli %scan3A_8, %mul3A_9 : i32
      %add3A_11 = arith.addi %mul3A_2, %mul3A_10 : i32
      "tpu.region"() ({
        %run_scoped3A = tpu.sem_alloc : memref<!tpu.dma_semaphore, #tpu.memory_space<semaphore_mem>>
        %dma_start3A_16 = tpu.memref_slice %arg3[%add3A_11] : memref<1638400xi32, #tpu.memory_space<hbm>> -> memref<1024xi32, #tpu.memory_space<hbm>>
        %dma_start3A_17 = tpu.memref_slice %arg3[%add3A_11] : memref<1638400xi32, #tpu.memory_space<hbm>> -> memref<1024xi32, #tpu.memory_space<hbm>>
        tpu.enqueue_dma source(%dma_start3A_17 : memref<1024xi32, #tpu.memory_space<hbm>>) target(%arg5 : memref<1024xi32, #tpu.memory_space<vmem>>) target_semaphore(%run_scoped3A : memref<!tpu.dma_semaphore, #tpu.memory_space<semaphore_mem>>)
        %dma_wait3A_18 = tpu.memref_slice %arg3[%add3A_11] : memref<1638400xi32, #tpu.memory_space<hbm>> -> memref<1024xi32, #tpu.memory_space<hbm>>
        %dma_wait3A_19 = tpu.memref_slice %arg3[%add3A_11] : memref<1638400xi32, #tpu.memory_space<hbm>> -> memref<1024xi32, #tpu.memory_space<hbm>>
        tpu.wait_dma2 semaphore(%run_scoped3A : memref<!tpu.dma_semaphore, #tpu.memory_space<semaphore_mem>>) src(%dma_wait3A_19 : memref<1024xi32, #tpu.memory_space<hbm>>) dst(%arg5 : memref<1024xi32, #tpu.memory_space<vmem>>)
        tpu.yield
      }) : () -> ()
      %dma_start3A = arith.constant 0 : i32
      %dma_start3A_12 = arith.constant 0 : i32
      %dma_start3A_13 = tpu.memref_slice %arg2[%dma_start3A, %dma_start3A_12] : memref<2000x32xf32, #tpu.memory_space<hbm>> -> memref<2000x32xf32, #tpu.memory_space<hbm>>
      tpu.enqueue_indirect_dma source(%dma_start3A_13 : memref<2000x32xf32, #tpu.memory_space<hbm>>) target(%arg6 : memref<1024x32xf32, #tpu.memory_space<vmem>>) offsets(%arg5 : memref<1024xi32, #tpu.memory_space<vmem>>) semaphore(%arg7 : memref<!tpu.dma_semaphore, #tpu.memory_space<semaphore_mem>>)
      %dma_wait3A = arith.constant 0 : i32
      %dma_wait3A_14 = arith.constant 0 : i32
      %dma_wait3A_15 = tpu.memref_slice %arg2[%dma_wait3A, %dma_wait3A_14] : memref<2000x32xf32, #tpu.memory_space<hbm>> -> memref<2000x32xf32, #tpu.memory_space<hbm>>
      tpu.wait_indirect_dma semaphore(%arg7 : memref<!tpu.dma_semaphore, #tpu.memory_space<semaphore_mem>>) src(%dma_wait3A_15 : memref<2000x32xf32, #tpu.memory_space<hbm>>) dst(%arg6 : memref<1024x32xf32, #tpu.memory_space<vmem>>)
      "tpu.region"() ({
        %run_scoped3A = tpu.sem_alloc : memref<!tpu.dma_semaphore, #tpu.memory_space<semaphore_mem>>
        %dma_start3A_16 = arith.constant 0 : i32
        %dma_start3A_17 = tpu.memref_slice %arg4[%add3A_11, %dma_start3A_16] : memref<1638400x32xf32, #tpu.memory_space<hbm>> -> memref<1024x32xf32, #tpu.memory_space<hbm>>
        %dma_start3A_18 = arith.constant 0 : i32
        %dma_start3A_19 = tpu.memref_slice %arg4[%add3A_11, %dma_start3A_18] : memref<1638400x32xf32, #tpu.memory_space<hbm>> -> memref<1024x32xf32, #tpu.memory_space<hbm>>
        tpu.enqueue_dma source(%arg6 : memref<1024x32xf32, #tpu.memory_space<vmem>>) target(%dma_start3A_19 : memref<1024x32xf32, #tpu.memory_space<hbm>>) target_semaphore(%run_scoped3A : memref<!tpu.dma_semaphore, #tpu.memory_space<semaphore_mem>>)
        %dma_wait3A_20 = arith.constant 0 : i32
        %dma_wait3A_21 = tpu.memref_slice %arg4[%add3A_11, %dma_wait3A_20] : memref<1638400x32xf32, #tpu.memory_space<hbm>> -> memref<1024x32xf32, #tpu.memory_space<hbm>>
        %dma_wait3A_22 = arith.constant 0 : i32
        %dma_wait3A_23 = tpu.memref_slice %arg4[%add3A_11, %dma_wait3A_22] : memref<1638400x32xf32, #tpu.memory_space<hbm>> -> memref<1024x32xf32, #tpu.memory_space<hbm>>
        tpu.wait_dma2 semaphore(%run_scoped3A : memref<!tpu.dma_semaphore, #tpu.memory_space<semaphore_mem>>) src(%arg6 : memref<1024x32xf32, #tpu.memory_space<vmem>>) dst(%dma_wait3A_23 : memref<1024x32xf32, #tpu.memory_space<hbm>>)
        tpu.yield
      }) : () -> ()
    }
    %scan3A_7 = arith.constant 50 : i32
    return
  }
}

module attributes {stable_mosaic.version = 14 : i64} {
  func.func @_bucketize_body(%arg0: memref<16384x100xf32, #tpu.memory_space<vmem>>, %arg1: memref<1x19xf32, #tpu.memory_space<vmem>>, %arg2: memref<16384x100xi32, #tpu.memory_space<vmem>>) attributes {dimension_semantics = [], scalar_prefetch = 0 : i64, scratch_operands = 0 : i64, tpu.core_type = #tpu.core_type<tc>} {
    %get3A = arith.constant 0 : index
    %get3A_0 = arith.constant 0 : index
    %get3A_1 = vector.load %arg0[%get3A, %get3A_0] : memref<16384x100xf32, #tpu.memory_space<vmem>>, vector<16384x100xf32>
    %reduce_min3A = arith.constant dense<0x7F800000> : vector<100xf32>
    %reduce_min3A_2 = vector.multi_reduction <minimumf>, %get3A_1, %reduce_min3A [0] : vector<16384x100xf32> to vector<100xf32>
    %broadcast_in_dim3A = vector.shape_cast %reduce_min3A_2 : vector<100xf32> to vector<1x100xf32>
    %reduce_max3A = arith.constant dense<0xFF800000> : vector<100xf32>
    %reduce_max3A_3 = vector.multi_reduction <maximumf>, %get3A_1, %reduce_max3A [0] : vector<16384x100xf32> to vector<100xf32>
    %broadcast_in_dim3A_4 = vector.shape_cast %reduce_max3A_3 : vector<100xf32> to vector<1x100xf32>
    %sub3A = vector.broadcast %broadcast_in_dim3A : vector<1x100xf32> to vector<16384x100xf32>
    %sub3A_5 = arith.subf %get3A_1, %sub3A : vector<16384x100xf32>
    %sub3A_6 = arith.subf %broadcast_in_dim3A_4, %broadcast_in_dim3A : vector<1x100xf32>
    %add3A = arith.constant 9.99999993E-9 : f32
    %add3A_7 = vector.broadcast %add3A : f32 to vector<1x100xf32>
    %add3A_8 = arith.addf %sub3A_6, %add3A_7 : vector<1x100xf32>
    %div3A = vector.broadcast %add3A_8 : vector<1x100xf32> to vector<16384x100xf32>
    %div3A_9 = arith.divf %sub3A_5, %div3A : vector<16384x100xf32>
    %get3A_10 = arith.constant 0 : index
    %get3A_11 = arith.constant 0 : index
    %get3A_12 = vector.load %arg1[%get3A_10, %get3A_11] : memref<1x19xf32, #tpu.memory_space<vmem>>, vector<1x19xf32>
    %logistic3A = arith.negf %get3A_12 : vector<1x19xf32>
    %logistic3A_13 = math.exp %logistic3A : vector<1x19xf32>
    %logistic3A_14 = arith.constant 1.000000e+00 : f32
    %logistic3A_15 = vector.broadcast %logistic3A_14 : f32 to vector<1x19xf32>
    %logistic3A_16 = arith.addf %logistic3A_15, %logistic3A_13 : vector<1x19xf32>
    %logistic3A_17 = arith.divf %logistic3A_15, %logistic3A_16 : vector<1x19xf32>
    %gt3A = arith.constant 0.000000e+00 : f32
    %gt3A_18 = vector.broadcast %gt3A : f32 to vector<16384x100xf32>
    %gt3A_19 = arith.cmpf ogt, %div3A_9, %gt3A_18 : vector<16384x100xf32>
    %convert_element_type3A = arith.extui %gt3A_19 : vector<16384x100xi1> to vector<16384x100xi32>
    %slice3A = vector.extract_strided_slice %logistic3A_17 {offsets = [0, 0], sizes = [1, 1], strides = [1, 1]} : vector<1x19xf32> to vector<1x1xf32>
    %gt3A_20 = vector.broadcast %slice3A : vector<1x1xf32> to vector<16384x100xf32>
    %gt3A_21 = arith.cmpf ogt, %div3A_9, %gt3A_20 : vector<16384x100xf32>
    %convert_element_type3A_22 = arith.extui %gt3A_21 : vector<16384x100xi1> to vector<16384x100xi32>
    %add3A_23 = arith.addi %convert_element_type3A, %convert_element_type3A_22 : vector<16384x100xi32>
    %slice3A_24 = vector.extract_strided_slice %logistic3A_17 {offsets = [0, 1], sizes = [1, 1], strides = [1, 1]} : vector<1x19xf32> to vector<1x1xf32>
    %gt3A_25 = vector.broadcast %slice3A_24 : vector<1x1xf32> to vector<16384x100xf32>
    %gt3A_26 = arith.cmpf ogt, %div3A_9, %gt3A_25 : vector<16384x100xf32>
    %convert_element_type3A_27 = arith.extui %gt3A_26 : vector<16384x100xi1> to vector<16384x100xi32>
    %add3A_28 = arith.addi %add3A_23, %convert_element_type3A_27 : vector<16384x100xi32>
    %slice3A_29 = vector.extract_strided_slice %logistic3A_17 {offsets = [0, 2], sizes = [1, 1], strides = [1, 1]} : vector<1x19xf32> to vector<1x1xf32>
    %gt3A_30 = vector.broadcast %slice3A_29 : vector<1x1xf32> to vector<16384x100xf32>
    %gt3A_31 = arith.cmpf ogt, %div3A_9, %gt3A_30 : vector<16384x100xf32>
    %convert_element_type3A_32 = arith.extui %gt3A_31 : vector<16384x100xi1> to vector<16384x100xi32>
    %add3A_33 = arith.addi %add3A_28, %convert_element_type3A_32 : vector<16384x100xi32>
    %slice3A_34 = vector.extract_strided_slice %logistic3A_17 {offsets = [0, 3], sizes = [1, 1], strides = [1, 1]} : vector<1x19xf32> to vector<1x1xf32>
    %gt3A_35 = vector.broadcast %slice3A_34 : vector<1x1xf32> to vector<16384x100xf32>
    %gt3A_36 = arith.cmpf ogt, %div3A_9, %gt3A_35 : vector<16384x100xf32>
    %convert_element_type3A_37 = arith.extui %gt3A_36 : vector<16384x100xi1> to vector<16384x100xi32>
    %add3A_38 = arith.addi %add3A_33, %convert_element_type3A_37 : vector<16384x100xi32>
    %slice3A_39 = vector.extract_strided_slice %logistic3A_17 {offsets = [0, 4], sizes = [1, 1], strides = [1, 1]} : vector<1x19xf32> to vector<1x1xf32>
    %gt3A_40 = vector.broadcast %slice3A_39 : vector<1x1xf32> to vector<16384x100xf32>
    %gt3A_41 = arith.cmpf ogt, %div3A_9, %gt3A_40 : vector<16384x100xf32>
    %convert_element_type3A_42 = arith.extui %gt3A_41 : vector<16384x100xi1> to vector<16384x100xi32>
    %add3A_43 = arith.addi %add3A_38, %convert_element_type3A_42 : vector<16384x100xi32>
    %slice3A_44 = vector.extract_strided_slice %logistic3A_17 {offsets = [0, 5], sizes = [1, 1], strides = [1, 1]} : vector<1x19xf32> to vector<1x1xf32>
    %gt3A_45 = vector.broadcast %slice3A_44 : vector<1x1xf32> to vector<16384x100xf32>
    %gt3A_46 = arith.cmpf ogt, %div3A_9, %gt3A_45 : vector<16384x100xf32>
    %convert_element_type3A_47 = arith.extui %gt3A_46 : vector<16384x100xi1> to vector<16384x100xi32>
    %add3A_48 = arith.addi %add3A_43, %convert_element_type3A_47 : vector<16384x100xi32>
    %slice3A_49 = vector.extract_strided_slice %logistic3A_17 {offsets = [0, 6], sizes = [1, 1], strides = [1, 1]} : vector<1x19xf32> to vector<1x1xf32>
    %gt3A_50 = vector.broadcast %slice3A_49 : vector<1x1xf32> to vector<16384x100xf32>
    %gt3A_51 = arith.cmpf ogt, %div3A_9, %gt3A_50 : vector<16384x100xf32>
    %convert_element_type3A_52 = arith.extui %gt3A_51 : vector<16384x100xi1> to vector<16384x100xi32>
    %add3A_53 = arith.addi %add3A_48, %convert_element_type3A_52 : vector<16384x100xi32>
    %slice3A_54 = vector.extract_strided_slice %logistic3A_17 {offsets = [0, 7], sizes = [1, 1], strides = [1, 1]} : vector<1x19xf32> to vector<1x1xf32>
    %gt3A_55 = vector.broadcast %slice3A_54 : vector<1x1xf32> to vector<16384x100xf32>
    %gt3A_56 = arith.cmpf ogt, %div3A_9, %gt3A_55 : vector<16384x100xf32>
    %convert_element_type3A_57 = arith.extui %gt3A_56 : vector<16384x100xi1> to vector<16384x100xi32>
    %add3A_58 = arith.addi %add3A_53, %convert_element_type3A_57 : vector<16384x100xi32>
    %slice3A_59 = vector.extract_strided_slice %logistic3A_17 {offsets = [0, 8], sizes = [1, 1], strides = [1, 1]} : vector<1x19xf32> to vector<1x1xf32>
    %gt3A_60 = vector.broadcast %slice3A_59 : vector<1x1xf32> to vector<16384x100xf32>
    %gt3A_61 = arith.cmpf ogt, %div3A_9, %gt3A_60 : vector<16384x100xf32>
    %convert_element_type3A_62 = arith.extui %gt3A_61 : vector<16384x100xi1> to vector<16384x100xi32>
    %add3A_63 = arith.addi %add3A_58, %convert_element_type3A_62 : vector<16384x100xi32>
    %slice3A_64 = vector.extract_strided_slice %logistic3A_17 {offsets = [0, 9], sizes = [1, 1], strides = [1, 1]} : vector<1x19xf32> to vector<1x1xf32>
    %gt3A_65 = vector.broadcast %slice3A_64 : vector<1x1xf32> to vector<16384x100xf32>
    %gt3A_66 = arith.cmpf ogt, %div3A_9, %gt3A_65 : vector<16384x100xf32>
    %convert_element_type3A_67 = arith.extui %gt3A_66 : vector<16384x100xi1> to vector<16384x100xi32>
    %add3A_68 = arith.addi %add3A_63, %convert_element_type3A_67 : vector<16384x100xi32>
    %slice3A_69 = vector.extract_strided_slice %logistic3A_17 {offsets = [0, 10], sizes = [1, 1], strides = [1, 1]} : vector<1x19xf32> to vector<1x1xf32>
    %gt3A_70 = vector.broadcast %slice3A_69 : vector<1x1xf32> to vector<16384x100xf32>
    %gt3A_71 = arith.cmpf ogt, %div3A_9, %gt3A_70 : vector<16384x100xf32>
    %convert_element_type3A_72 = arith.extui %gt3A_71 : vector<16384x100xi1> to vector<16384x100xi32>
    %add3A_73 = arith.addi %add3A_68, %convert_element_type3A_72 : vector<16384x100xi32>
    %slice3A_74 = vector.extract_strided_slice %logistic3A_17 {offsets = [0, 11], sizes = [1, 1], strides = [1, 1]} : vector<1x19xf32> to vector<1x1xf32>
    %gt3A_75 = vector.broadcast %slice3A_74 : vector<1x1xf32> to vector<16384x100xf32>
    %gt3A_76 = arith.cmpf ogt, %div3A_9, %gt3A_75 : vector<16384x100xf32>
    %convert_element_type3A_77 = arith.extui %gt3A_76 : vector<16384x100xi1> to vector<16384x100xi32>
    %add3A_78 = arith.addi %add3A_73, %convert_element_type3A_77 : vector<16384x100xi32>
    %slice3A_79 = vector.extract_strided_slice %logistic3A_17 {offsets = [0, 12], sizes = [1, 1], strides = [1, 1]} : vector<1x19xf32> to vector<1x1xf32>
    %gt3A_80 = vector.broadcast %slice3A_79 : vector<1x1xf32> to vector<16384x100xf32>
    %gt3A_81 = arith.cmpf ogt, %div3A_9, %gt3A_80 : vector<16384x100xf32>
    %convert_element_type3A_82 = arith.extui %gt3A_81 : vector<16384x100xi1> to vector<16384x100xi32>
    %add3A_83 = arith.addi %add3A_78, %convert_element_type3A_82 : vector<16384x100xi32>
    %slice3A_84 = vector.extract_strided_slice %logistic3A_17 {offsets = [0, 13], sizes = [1, 1], strides = [1, 1]} : vector<1x19xf32> to vector<1x1xf32>
    %gt3A_85 = vector.broadcast %slice3A_84 : vector<1x1xf32> to vector<16384x100xf32>
    %gt3A_86 = arith.cmpf ogt, %div3A_9, %gt3A_85 : vector<16384x100xf32>
    %convert_element_type3A_87 = arith.extui %gt3A_86 : vector<16384x100xi1> to vector<16384x100xi32>
    %add3A_88 = arith.addi %add3A_83, %convert_element_type3A_87 : vector<16384x100xi32>
    %slice3A_89 = vector.extract_strided_slice %logistic3A_17 {offsets = [0, 14], sizes = [1, 1], strides = [1, 1]} : vector<1x19xf32> to vector<1x1xf32>
    %gt3A_90 = vector.broadcast %slice3A_89 : vector<1x1xf32> to vector<16384x100xf32>
    %gt3A_91 = arith.cmpf ogt, %div3A_9, %gt3A_90 : vector<16384x100xf32>
    %convert_element_type3A_92 = arith.extui %gt3A_91 : vector<16384x100xi1> to vector<16384x100xi32>
    %add3A_93 = arith.addi %add3A_88, %convert_element_type3A_92 : vector<16384x100xi32>
    %slice3A_94 = vector.extract_strided_slice %logistic3A_17 {offsets = [0, 15], sizes = [1, 1], strides = [1, 1]} : vector<1x19xf32> to vector<1x1xf32>
    %gt3A_95 = vector.broadcast %slice3A_94 : vector<1x1xf32> to vector<16384x100xf32>
    %gt3A_96 = arith.cmpf ogt, %div3A_9, %gt3A_95 : vector<16384x100xf32>
    %convert_element_type3A_97 = arith.extui %gt3A_96 : vector<16384x100xi1> to vector<16384x100xi32>
    %add3A_98 = arith.addi %add3A_93, %convert_element_type3A_97 : vector<16384x100xi32>
    %slice3A_99 = vector.extract_strided_slice %logistic3A_17 {offsets = [0, 16], sizes = [1, 1], strides = [1, 1]} : vector<1x19xf32> to vector<1x1xf32>
    %gt3A_100 = vector.broadcast %slice3A_99 : vector<1x1xf32> to vector<16384x100xf32>
    %gt3A_101 = arith.cmpf ogt, %div3A_9, %gt3A_100 : vector<16384x100xf32>
    %convert_element_type3A_102 = arith.extui %gt3A_101 : vector<16384x100xi1> to vector<16384x100xi32>
    %add3A_103 = arith.addi %add3A_98, %convert_element_type3A_102 : vector<16384x100xi32>
    %slice3A_104 = vector.extract_strided_slice %logistic3A_17 {offsets = [0, 17], sizes = [1, 1], strides = [1, 1]} : vector<1x19xf32> to vector<1x1xf32>
    %gt3A_105 = vector.broadcast %slice3A_104 : vector<1x1xf32> to vector<16384x100xf32>
    %gt3A_106 = arith.cmpf ogt, %div3A_9, %gt3A_105 : vector<16384x100xf32>
    %convert_element_type3A_107 = arith.extui %gt3A_106 : vector<16384x100xi1> to vector<16384x100xi32>
    %add3A_108 = arith.addi %add3A_103, %convert_element_type3A_107 : vector<16384x100xi32>
    %slice3A_109 = vector.extract_strided_slice %logistic3A_17 {offsets = [0, 18], sizes = [1, 1], strides = [1, 1]} : vector<1x19xf32> to vector<1x1xf32>
    %gt3A_110 = vector.broadcast %slice3A_109 : vector<1x1xf32> to vector<16384x100xf32>
    %gt3A_111 = arith.cmpf ogt, %div3A_9, %gt3A_110 : vector<16384x100xf32>
    %convert_element_type3A_112 = arith.extui %gt3A_111 : vector<16384x100xi1> to vector<16384x100xi32>
    %add3A_113 = arith.addi %add3A_108, %convert_element_type3A_112 : vector<16384x100xi32>
    %sub3A_114 = arith.constant 1 : i32
    %sub3A_115 = vector.broadcast %sub3A_114 : i32 to vector<16384x100xi32>
    %sub3A_116 = arith.subi %add3A_113, %sub3A_115 : vector<16384x100xi32>
    %jit3A = arith.constant 0 : i32
    %jit3A_117 = arith.constant 19 : i32
    %max3A = vector.broadcast %jit3A : i32 to vector<16384x100xi32>
    %max3A_118 = arith.maxsi %max3A, %sub3A_116 : vector<16384x100xi32>
    %min3A = vector.broadcast %jit3A_117 : i32 to vector<16384x100xi32>
    %min3A_119 = arith.minsi %min3A, %max3A_118 : vector<16384x100xi32>
    %iota3A = tpu.iota {dimensions = array<i32: 1>} : vector<16384x100xi32>
    %mul3A = arith.constant 20 : i32
    %mul3A_120 = vector.broadcast %mul3A : i32 to vector<16384x100xi32>
    %mul3A_121 = arith.muli %iota3A, %mul3A_120 : vector<16384x100xi32>
    %add3A_122 = arith.addi %min3A_119, %mul3A_121 : vector<16384x100xi32>
    %swap3A = arith.constant 0 : index
    %swap3A_123 = arith.constant 0 : index
    %swap3A_124 = vector.load %arg2[%swap3A, %swap3A_123] : memref<16384x100xi32, #tpu.memory_space<vmem>>, vector<16384x100xi32>
    tpu.vector_store %arg2[%swap3A, %swap3A_123], %add3A_122 {strides = array<i32>} : memref<16384x100xi32, #tpu.memory_space<vmem>>, vector<16384x100xi32>,
    return
  }
}

</mosaic_0001>

<sc_bundles>
// kernel: kernel.4.cloned.1.call-start
scs
__scs_entry_jumppad:
0x0: {  	(pc) =	sbr.rel $0x88, $3  }
0x1: {  	(tag) =	ssettag $0x0;
	lr =	simm.s32 $0x1  }
0x2: {  	[smem:$0x3F9E] =	sst lr;
	_ =	strace $0xD0000000  }
0x3: {  	_ = 	snop  }
0x4: {  	_ = 	snop  }
0x5: {  	_ = 	snop  }
0x6: {  	_ = 	snop  }
0x7: {  	_ = 	snop  }
__scs_overlays_trampoline_lowered:
0x8: {  	[smem:$0x3FAD] =	sst s0  }
0x9: {  	[smem:$0x3FAE] =	sst s1  }
0xa: {  	[smem:$0x3FAF] =	sst s2  }
0xb: {  	[smem:$0x3FB0] =	sst s3  }
0xc: {  	[smem:$0x3FB1] =	sst s4  }
0xd: {  	[smem:$0x3FB2] =	sst s5  }
0xe: {  	[smem:$0x3FB3] =	sst s6  }
0xf: {  	[smem:$0x3FB4] =	sst s7  }
0x10: {  	[smem:$0x3FB5] =	sst s8  }
0x11: {  	[smem:$0x3FB6] =	sst s9;
	s0 =	simm.s32 @!p0 $0x0  }
0x12: {  	s1 =	sld [smem:$0x3F9C];
	s0 =	simm.s32 @p0 $0x1  }
0x13: {  	[smem:$0x3FB7] =	sst s0;
	s0 =	simm.s32 @!p1 $0x0  }
0x14: {  	s2 =	sld [smem:$0x3F9B];
	s0 =	simm.s32 @p1 $0x1  }
0x15: {  	[smem:$0x3FB8] =	sst s0;
	s0 =	simm.s32 @!p2 $0x0  }
0x16: {  	s3 =	sld [smem:$0x3FDB];
	s0 =	simm.s32 @p2 $0x1  }
0x17: {  	s4 =	simm.s32 $0x1BF5;
	[smem:$0x3FBA] =	sst s0  }
0x18: {  	s0 =	sld [smem:$0x3F9D];
	_ =	swait.ge [sflag:s4], $0x0  }
0x19: {  	s7 =	sld [smem:$0x3F9E]  }
0x1a: {  	s8 =	sadd.s32 $0xFFFFE003, lr  }
0x1b: {  	s9 =	sadd.s32 $0xFFFFFEF7, lr;
	s5 =	simm.s32 $0xFFFFFFFF;
	p2 =	slt.u32 s8, $0xFFFFF086  }
0x1c: {  	p1 =	slt.u32 s9, $0xF7A;
	s5 =	simm.s32 @!p2 $0x0  }
0x1d: {  	s5 =	simm.s32 @p1 $0x1;
	p0 =	seq.s32 s7, s2  }
0x1e: {  	s7 =	smul.u32 @!p0 $0xF7A, s2;
	p2 =	seq.s32 @!p0 s5, $0x0  }
0x1f: {  	s9 =	smul.u32 $0xF7A, s1;
	s8 =	simm.s32 @!p0 $0x1BF5;
	p2 =	por !p2, p0  }
0x20: {  	[sflag:s8] =	ssyncset.s32 @!p0 $0xFFFFF086;
	s6 =	sadd.s32 @!p0 s3, s7;
	s7 =	simm.s32 @!p0 $0x108  }
0x21: {  	s3 =	sadd.s32 s3, s9;
	s6 =	sadd.s32 @!p0 $0x88, s6;
	s7 =	simm.s32 @p2 $0x1082  }
0x22: {  	[simem:s7], [sflag:s8] =	dma.local @!p0 [hbm:s6], $0xF7A  }
0x23: {  	s9 =	sor.u32 $0xD0000000, s2;
	s6 =	simm.s32 $0x108;
	_ =	swait.ge @!p0 [sflag:s8], $0x0  }
0x24: {  	s3 =	sadd.s32 $0x88, s3;
	s6 =	simm.s32 @!p1 $0x1082;
	[sflag:s4] =	ssyncset.s32 $0xFFFFF086  }
0x25: {  	[simem:s6], [sflag:s4] =	dma.local [hbm:s3], $0xF7A  }
0x26: {  	[smem:$0x3F9E] =	sst s1;
	(tag) =	ssettag s2;
	_ =	strace s9  }
0x27: {  	s1 =	sld [smem:$0x3FAE]  }
0x28: {  	s2 =	sld [smem:$0x3FAF]  }
0x29: {  	s4 =	sld [smem:$0x3FB1]  }
0x2a: {  	p0 =	seq.s32 s5, $0x0;
	s5 =	sld [smem:$0x3FB2]  }
0x2b: {  	s6 =	sld [smem:$0x3FB3]  }
0x2c: {  	s7 =	sld [smem:$0x3FB4]  }
0x2d: {  	s3 =	simm.s32 $0x108;
	s8 =	sld [smem:$0x3FB5]  }
0x2e: {  	s3 =	simm.s32 @!p0 $0x1082;
	s9 =	sld [smem:$0x3FB6]  }
0x2f: {  	lr =	sadd.s32 s0, s3;
	s0 =	sld [smem:$0x3FAD]  }
0x30: {  	s3 =	sld [smem:$0x3FB0]  }
0x31: {  	[smem:$0x3FB9] =	sst s10  }
0x32: {  	s10 =	sld [smem:$0x3FB7];
	_ =	sdelay $0x3  }
0x33: {  	p0 =	seq.s32 s10, $0x1;
	s10 =	sld [smem:$0x3FB9];
	_ =	sdelay $0x3  }
0x34: {  	[smem:$0x3FB9] =	sst s10  }
0x35: {  	s10 =	sld [smem:$0x3FB8];
	_ =	sdelay $0x3  }
0x36: {  	p1 =	seq.s32 s10, $0x1;
	s10 =	sld [smem:$0x3FB9];
	_ =	sdelay $0x3  }
0x37: {  	[smem:$0x3FB9] =	sst s10  }
0x38: {  	s10 =	sld [smem:$0x3FBA]  }
0x39: {  	_ = 	snop;
	(pc) =	sbr.ind lr, $3  }
0x3a: {  	_ = 	snop  }
0x3b: {  	_ = 	snop  }
0x3c: {  	p2 =	seq.s32 s10, $0x1;
	s10 =	sld [smem:$0x3FB9]  }
0x3d: {  	_ =	shalt  }
0x3e: {  	_ =	shalt  }
0x3f: {  	_ =	shalt  }
0x40: {  	_ =	shalt  }
0x41: {  	_ =	shalt  }
0x42: {  	_ =	shalt  }
0x43: {  	_ =	shalt  }
0x44: {  	_ =	shalt  }
0x45: {  	_ =	shalt  }
0x46: {  	_ =	shalt  }
0x47: {  	_ =	shalt  }
0x48: {  	_ =	shalt  }
0x49: {  	_ =	shalt  }
0x4a: {  	_ =	shalt  }
0x4b: {  	_ =	shalt  }
0x4c: {  	_ =	shalt  }
0x4d: {  	_ =	shalt  }
0x4e: {  	_ =	shalt  }
0x4f: {  	_ =	shalt  }
0x50: {  	_ =	shalt  }
0x51: {  	_ =	shalt  }
0x52: {  	_ =	shalt  }
0x53: {  	_ =	shalt  }
0x54: {  	_ =	shalt  }
0x55: {  	_ =	shalt  }
0x56: {  	_ =	shalt  }
0x57: {  	_ =	shalt  }
0x58: {  	_ =	shalt  }
0x59: {  	_ =	shalt  }
0x5a: {  	_ =	shalt  }
0x5b: {  	_ =	shalt  }
0x5c: {  	_ =	shalt  }
0x5d: {  	_ =	shalt  }
0x5e: {  	_ =	shalt  }
0x5f: {  	_ =	shalt  }
0x60: {  	_ =	shalt  }
0x61: {  	_ =	shalt  }
0x62: {  	_ =	shalt  }
0x63: {  	_ =	shalt  }
0x64: {  	_ =	shalt  }
0x65: {  	_ =	shalt  }
0x66: {  	_ =	shalt  }
0x67: {  	_ =	shalt  }
0x68: {  	_ =	shalt  }
0x69: {  	_ =	shalt  }
0x6a: {  	_ =	shalt  }
0x6b: {  	_ =	shalt  }
0x6c: {  	_ =	shalt  }
0x6d: {  	_ =	shalt  }
0x6e: {  	_ =	shalt  }
0x6f: {  	_ =	shalt  }
0x70: {  	_ =	shalt  }
0x71: {  	_ =	shalt  }
0x72: {  	_ =	shalt  }
0x73: {  	_ =	shalt  }
0x74: {  	_ =	shalt  }
0x75: {  	_ =	shalt  }
0x76: {  	_ =	shalt  }
0x77: {  	_ =	shalt  }
0x78: {  	_ =	shalt  }
0x79: {  	_ =	shalt  }
0x7a: {  	_ =	shalt  }
0x7b: {  	_ =	shalt  }
0x7c: {  	_ =	shalt  }
0x7d: {  	_ =	shalt  }
0x7e: {  	_ =	shalt  }
0x7f: {  	_ =	shalt  }
0x80: {  	_ =	shalt  }
0x81: {  	_ =	shalt  }
0x82: {  	_ =	shalt  }
0x83: {  	_ =	shalt  }
0x84: {  	_ =	shalt  }
0x85: {  	_ =	shalt  }
0x86: {  	_ =	shalt  }
0x87: {  	_ =	shalt  }
.Lfunc_end0:
.L_simem_size_0:
called_computation.2_lowered:
.L_overlay_start_0:
0x88: {  	s2 =	sld [smem:$0x3FD9]  }
0x89: {  	s3 =	sld [smem:$0x3FFE];
	_ =	sdelay $0x1  }
0x8a: {  	s1 =	srdreg.scid  }
0x8b: {  	s0 =	sand.u32 $0x1, s1  }
0x8c: {  	s17 =	sshll.u32 s0, $0xA;
	s2 =	sadd.s32 s3, s2  }
0x8d: {  	s2 =	sadd.s32 s2, s17  }
0x8e: {  	[smem:$0x3FC5] =	sst s2  }
0x8f: {  	_ = 	snop  }
0x90: {  	s2 =	sld [smem:$0x3FD0];
	(tm) =	ssettm $0x1  }
0x91: {  	s18 =	sld [smem:$0x3FFB];
	_ =	sdelay $0x3  }
0x92: {  	_ =	strace s18  }
0x93: {  	s3 =	sld [smem:$0x3FFC];
	_ =	sdelay $0x3  }
0x94: {  	_ =	strace s3  }
0x95: {  	s3 =	sld [smem:$0x3FFD];
	_ =	sdelay $0x3  }
0x96: {  	_ =	strace s3  }
0x97: {  	_ =	strace $0x8FFFFFFF  }
0x98: {  	s19 =	sld [smem:$0x3FDB];
	_ =	sdelay $0x1  }
0x99: {  	s4 =	simm.s32 $_scs_section_size  }
0x9a: {  	s5 =	simm.s32 $_size__tile_overlayer_lowered;
	s6 =	simm.s32 $_tile_overlayer_lowered  }
0x9b: {  	s22 =	simm.s32 $0x1BFF;
	s21 =	sshll.u32 s6, $0x1;
	s3 =	sadd.s32 s4, s19  }
0x9c: {  	s7 =	simm.s32 $0x0;
	s20 =	sshll.u32 s5, $0x1;
	s5 =	sadd.s32 s21, s3  }
0x9d: {  	[timem:s7], [sflag:s22] =	dma.local [hbm:s5], s20  }
0x9e: {  	_ =	swait.ge [sflag:s22], s20  }
0x9f: {  	s4 =	ssub.s32 $0x0, s20;
	[sflag:s22] =	ssyncset.done $0x0  }
0xa0: {  	[sflag:s22] =	ssyncadd.s32 s4;
	_ =	sdelay $0x1  }
0xa1: {  	s23 =	simm.s32 $0x1B8B  }
0xa2: {  	_ =	swait.ge [sflag:s23], $0x1  }
0xa3: {  	[sflag:s23] =	ssyncset.done $0x0  }
0xa4: {  	s25 =	simm.s32 $0x1B8E;
	s24 =	sld [smem:$0x3FFE];
	[sflag:s23] =	ssyncadd.s32 $0xFFFFFFFF  }
0xa5: {  	s26 =	simm.s32 $execute0_lowered;
	[smem:$0x3FD2] =	sst s25  }
0xa6: {  	s5 =	sshll.u32 s26, $0x1;
	_ =	strace $0x80000046;
	[dreg:$0x1] =	wrdreg $0xFFFFFFFF  }
0xa7: {  	s28 =	simm.s32 $_size_execute0_lowered;
	s3 =	sadd.s32 s3, s5;
	[dreg:$0x0] =	wrdreg $0x0  }
0xa8: {  	s5 =	sshll.u32 s28, $0x1;
	[dreg:$0x2] =	wrdreg s3  }
0xa9: {  	[dreg:$0x3] =	wrdreg s5  }
0xaa: {  	[dreg:$0x4] =	wrdreg $0xC0  }
0xab: {  	_ =	task [dreg:s7], $0x5FFFF  }
0xac: {  	[dreg:$0x1] =	wrdreg $0xFFFFFFFF  }
0xad: {  	[dreg:$0x0] =	wrdreg $0x60  }
0xae: {  	[dreg:$0x2] =	wrdreg s24  }
0xaf: {  	[dreg:$0x3] =	wrdreg s2  }
0xb0: {  	[dreg:$0x4] =	wrdreg $0x9  }
0xb1: {  	_ =	task.clear_ibuf [dreg:s7], $0x5FFFF;
	_ =	strace $0x90000046  }
0xb2: {  	s29 =	simm.s32 $0x9;
	_ =	strace $0x80000048  }
0xb3: {  	_ =	swait.ge [sflag:s29], $0x1  }
0xb4: {  	[sflag:s29] =	ssyncadd.s32 $0xFFFFFFFF  }
0xb5: {  	_ =	strace $0x90000048  }
0xb6: {  	_ =	sfence  }
0xb7: {  	s30 =	sld [smem:$0x0];
	_ =	sdelay $0x2  }
0xb8: {  	s31 =	sshll.u32 s1, $0xD;
	s1 =	sshrl.u32 s1, $0x2  }
0xb9: {  	s3 =	sand.u32 $0x4000, s31;
	s1 =	sadd.s32 s1, s30  }
0xba: {  	s0 =	sor.u32 s3, s0;
	s1 =	sshll.u32 s1, $0x11  }
0xbb: {  	s0 =	sor.u32 s1, s0  }
0xbc: {  	s0 =	sadd.s32 $0x8F2B, s0  }
0xbd: {  	[sflag:s0] =	ssyncadd.remote.s32 $0x1  }
0xbe: {  	_ =	sfence.sel $0xFFFF  }
0xbf: {  	[dreg:$0x0] =	wrdreg $0xFFFFFFFF;
	(pc) =	sbr.abs _section_cstart, $3  }
0xc0: {  	[dreg:$0x1] =	wrdreg $0xFFFFFFFF  }
0xc1: {  	_ =	task.clear_ibuf [dreg:s7], $0x2FFFF;
	_ =	strace $0x9FFFFFFF  }
0xc2: {  	(tm) =	ssettm $0x7FFFFFFF  }
0xc3: {  	_ =	shalt  }
tec
execute0_lowered:
.L_overlay_start_1:
0x0: {  	(tag) =	ssettag $0x1  }
0x1: {  	s4 =	rddreg [dreg:$0x0]  }
0x2: {  	s5 =	rddreg [dreg:$0x1]  }
0x3: {  	s0 =	rddreg [dreg:$0x2];
	s1 =	stileid.u32  }
0x4: {  	s3 =	srdreg.scid;
	s2 =	simm.s32 $0x0;
	s7 =	smul.u32 $0x19000, s1  }
0x5: {  	s6 =	sand.u32 $0x1, s3;
	[smem:$0x7FF] =	sst s2;
	s10 =	smul.u32 $0x64000, s1  }
0x6: {  	s3 =	sadd.s32 $0x32C00, s4;
	s8 =	smul.u32 $0xC800, s6;
	s9 =	ssub.s32 $0x2, s6  }
0x7: {  	_ =	strace $0x80000047;
	s6 =	smul.u32 $0x32000, s6;
	s31 =	sshrl.u32 s9, $0x1  }
0x8: {  	s5 =	sadd.s32 s10, s5;
	s10 =	simm.s32 $0x0;
	s7 =	sadd.s32 s8, s7  }
0x9: {  	s8 =	ssub.s32 s9, s31;
	s5 =	sadd.s32 s6, s5;
	s7 =	sshrl.u32 s7, $0x3  }
0xa: {  	s9 =	simm.s32 $0x1;
	s7 =	sadd.s32 s7, s4;
	s4 =	smax.u32 s8, $0x1  }
0xb: {  	s8 =	simm.s32 $0x400;
	s6 =	sadd.s32 $0xC00, s7;
	s7 =	simm.s32 $0x2  }
.LBB2_1:
0xc: {  	s11 =	sadd.s32 $0x0, s6  }
0xd: {  	[tilespmem:s2], [sflag:$0x2] =	stream.linear.gather [hbm4b:s11+s2], $0x400, $0x38;
	[tilespmem:$0x8400] =	vst v63  }
0xe: {  	_ =	swait.ge [sflag:s7], $0x400  }
0xf: {  	[sflag:s7] =	ssyncset.done $0x0  }
0x10: {  	[sflag:s7] =	ssyncadd.s32 $0xFFFFFC00  }
0x11: {  	[tilespmem:s8], [sflag:$0x1] =	stream.indirect.gather [hbm4b:s3+s8], $0x20, s2, s8, $0xb8;
	[tilespmem:$0x8400] =	vst v63  }
0x12: {  	_ =	swait.ge [sflag:s9], $0x8000  }
0x13: {  	[sflag:s9] =	ssyncset.done $0x0  }
0x14: {  	[sflag:s9] =	ssyncadd.s32 $0xFFFF8000  }
0x15: {  	[hbm4b:s5+s2] =	stream.linear.scatter [tilespmem:s8], [sflag:$0x2], $0x8000, $0x38;
	[tilespmem:$0x8400] =	vst v63  }
0x16: {  	s12 =	simm.s32 $0x80;
	_ =	swait.ge [sflag:s7], $0x8000  }
0x17: {  	s13 =	simm.s32 $0x100;
	s11 =	sadd.s32 $0x1000, s5;
	[sflag:s7] =	ssyncset.done $0x0  }
.LBB2_2:
0x18: {  	s14 =	sadd.s32 s12, s6  }
0x19: {  	[sflag:s7] =	ssyncadd.s32 $0xFFFF8000;
	s12 =	smov.u32 s13;
	s15 =	sadd.s32 $0x80, s13  }
0x1a: {  	[tilespmem:s2], [sflag:$0x2] =	stream.linear.gather [hbm4b:s14+s2], $0x400, $0x38;
	[tilespmem:$0x8400] =	vst v63  }
0x1b: {  	p0 =	sne.s32 s13, $0x1880;
	_ =	swait.ge [sflag:s7], $0x400  }
0x1c: {  	[sflag:s7] =	ssyncset.done $0x0  }
0x1d: {  	[sflag:s7] =	ssyncadd.s32 $0xFFFFFC00  }
0x1e: {  	[tilespmem:s8], [sflag:$0x1] =	stream.indirect.gather [hbm4b:s3+s8], $0x20, s2, s8, $0xb8;
	[tilespmem:$0x8400] =	vst v63  }
0x1f: {  	_ =	swait.ge [sflag:s9], $0x8000  }
.Ltmp0:
0x20: {  	[sflag:s9] =	ssyncset.done $0x0;
	(pc) =	sbr.rel @p0 .LBB2_2-.Ltmp0, $4  }
0x21: {  	[sflag:s9] =	ssyncadd.s32 $0xFFFF8000  }
0x22: {  	[hbm4b:s11+s2] =	stream.linear.scatter [tilespmem:s8], [sflag:$0x2], $0x8000, $0x38;
	[tilespmem:$0x8400] =	vst v63  }
0x23: {  	_ =	swait.ge [sflag:s7], $0x8000  }
0x24: {  	s13 =	smov.u32 s15;
	s11 =	sadd.s32 $0x1000, s11;
	[sflag:s7] =	ssyncset.done $0x0  }
0x25: {  	s12 =	sadd.s32 s12, s6;
	[sflag:s7] =	ssyncadd.s32 $0xFFFF8000  }
0x26: {  	[tilespmem:s2], [sflag:$0x2] =	stream.linear.gather [hbm4b:s12+s2], $0x400, $0x38;
	[tilespmem:$0x8400] =	vst v63  }
0x27: {  	_ =	swait.ge [sflag:s7], $0x400  }
0x28: {  	[sflag:s7] =	ssyncset.done $0x0  }
0x29: {  	[sflag:s7] =	ssyncadd.s32 $0xFFFFFC00  }
0x2a: {  	[tilespmem:s8], [sflag:$0x1] =	stream.indirect.gather [hbm4b:s3+s8], $0x20, s2, s8, $0xb8;
	[tilespmem:$0x8400] =	vst v63  }
0x2b: {  	s10 =	sadd.s32 $0x1, s10;
	_ =	swait.ge [sflag:s9], $0x8000  }
0x2c: {  	p0 =	sne.s32 s10, s4;
	[sflag:s9] =	ssyncset.done $0x0  }
.Ltmp1:
0x2d: {  	[sflag:s9] =	ssyncadd.s32 $0xFFFF8000;
	(pc) =	sbr.rel @p0 .LBB2_1-.Ltmp1, $4  }
0x2e: {  	[hbm4b:s11+s2] =	stream.linear.scatter [tilespmem:s8], [sflag:$0x2], $0x8000, $0x38;
	[tilespmem:$0x8400] =	vst v63  }
0x2f: {  	_ =	swait.ge [sflag:s7], $0x8000  }
0x30: {  	[sflag:s7] =	ssyncset.done $0x0  }
0x31: {  	[sflag:s7] =	ssyncadd.s32 $0xFFFF8000  }
0x32: {  	_ =	sfence.sel $0x180000  }
0x33: {  	[bflag:$0x0] =	sbarrier.arrive $0xFFFF  }
0x34: {  	p0 =	sne.s32 s1, $0x0;
	_ =	strace $0x90000047  }
0x35: {  	s0 =	sadd.s32 @!p0 $0x100000, s0;
	[bflag:$0x2] =	sbarrier.arrive $0xFFFF  }
0x36: {  	[sflag:s0] =	ssyncadd.tile.s32 @!p0 $0x1;
	_ =	shalt  }
.Lfunc_end2:
_tile_overlayer_lowered:
.L_overlay_start_2:
0x37: {  	(tag) =	ssettag $0x2  }
0x38: {  	s0 =	rddreg [dreg:$0x0];
	s2 =	stileid.u32  }
0x39: {  	s1 =	rddreg [dreg:$0x1];
	p0 =	sne.s32 s2, $0x0  }
0x3a: {  	s3 =	rddreg [dreg:$0x2];
	[bflag:$0x3] =	sbarrier.arrive $0xFFFF;
	s2 =	simm.s32 @!p0 $0x1C02  }
0x3b: {  	[timem:s3], [sflag:s2] =	dma.local @!p0 [hbm:s0], s1  }
0x3c: {  	s0 =	simm.s32 @!p0 $0x2  }
0x3d: {  	_ =	swait.ge @!p0 [sflag:s0], s1  }
0x3e: {  	s1 =	ssub.s32 @!p0 $0x0, s1;
	[sflag:s0] =	ssyncset.done @!p0 $0x0  }
0x3f: {  	[sflag:s0] =	ssyncadd.s32 @!p0 s1  }
0x40: {  	[bflag:$0x3] =	sbarrier.arrive $0xFFFF  }
0x41: {  	_ =	shalt  }

// kernel: sparse-core-data-format-call.1.cloned.1.call-start
scs
called_computation.1_lowered:
.L_overlay_start_0:
0x0: {  	s1 =	sld [smem:$0x3FD9]  }
0x1: {  	s2 =	sld [smem:$0x3FFE];
	_ =	sdelay $0x1  }
0x2: {  	s3 =	srdreg.scid  }
0x3: {  	s0 =	sand.u32 $0x1, s3  }
0x4: {  	s17 =	sshll.u32 s0, $0xA;
	s1 =	sadd.s32 s2, s1  }
0x5: {  	s1 =	sadd.s32 s1, s17  }
0x6: {  	[smem:$0x3FC5] =	sst s1  }
0x7: {  	_ = 	snop  }
0x8: {  	(tm) =	ssettm $0x1  }
0x9: {  	s18 =	sld [smem:$0x3FFB];
	_ =	sdelay $0x3  }
0xa: {  	_ =	strace s18  }
0xb: {  	s1 =	sld [smem:$0x3FFC];
	_ =	sdelay $0x3  }
0xc: {  	_ =	strace s1  }
0xd: {  	s1 =	sld [smem:$0x3FFD];
	_ =	sdelay $0x3  }
0xe: {  	_ =	strace s1  }
0xf: {  	_ =	strace $0x8FFFFFFF  }
0x10: {  	s19 =	sld [smem:$0x3FDB];
	_ =	sdelay $0x1  }
0x11: {  	s20 =	simm.s32 $_scs_section_size  }
0x12: {  	s4 =	simm.s32 $_size__tile_overlayer_lowered;
	s5 =	simm.s32 $_tile_overlayer_lowered  }
0x13: {  	s23 =	simm.s32 $0x1BFF;
	s22 =	sshll.u32 s5, $0x1;
	s1 =	sadd.s32 s20, s19  }
0x14: {  	s6 =	simm.s32 $0x0;
	s21 =	sshll.u32 s4, $0x1;
	s4 =	sadd.s32 s22, s1  }
0x15: {  	[timem:s6], [sflag:s23] =	dma.local [hbm:s4], s21  }
0x16: {  	_ =	swait.ge [sflag:s23], s21  }
0x17: {  	s2 =	ssub.s32 $0x0, s21;
	[sflag:s23] =	ssyncset.done $0x0  }
0x18: {  	[sflag:s23] =	ssyncadd.s32 s2;
	_ =	sdelay $0x1  }
0x19: {  	s24 =	simm.s32 $0x1B8B  }
0x1a: {  	_ =	swait.ge [sflag:s24], $0x1  }
0x1b: {  	[sflag:s24] =	ssyncset.done $0x0  }
0x1c: {  	s26 =	simm.s32 $0x1B8E;
	s25 =	sld [smem:$0x3FFE];
	[sflag:s24] =	ssyncadd.s32 $0xFFFFFFFF  }
0x1d: {  	s27 =	simm.s32 $execute0_lowered;
	[smem:$0x3FD2] =	sst s26  }
0x1e: {  	s4 =	sshll.u32 s27, $0x1;
	_ =	strace $0x80000049;
	[dreg:$0x1] =	wrdreg $0xFFFFFFFF  }
0x1f: {  	s28 =	simm.s32 $_size_execute0_lowered;
	s1 =	sadd.s32 s1, s4;
	[dreg:$0x0] =	wrdreg $0x0  }
0x20: {  	s4 =	sshll.u32 s28, $0x1;
	[dreg:$0x2] =	wrdreg s1  }
0x21: {  	[dreg:$0x3] =	wrdreg s4  }
0x22: {  	[dreg:$0x4] =	wrdreg $0xC0  }
0x23: {  	_ =	task [dreg:s6], $0x5FFFF  }
0x24: {  	[dreg:$0x1] =	wrdreg $0xFFFFFFFF  }
0x25: {  	[dreg:$0x0] =	wrdreg $0x60  }
0x26: {  	[dreg:$0x2] =	wrdreg s25  }
0x27: {  	[dreg:$0x3] =	wrdreg $0x9  }
0x28: {  	_ =	task.clear_ibuf [dreg:s6], $0x4FFFF;
	_ =	strace $0x90000049  }
0x29: {  	s29 =	simm.s32 $0x9;
	_ =	strace $0x8000004B  }
0x2a: {  	_ =	swait.ge [sflag:s29], $0x1  }
0x2b: {  	[sflag:s29] =	ssyncadd.s32 $0xFFFFFFFF  }
0x2c: {  	_ =	strace $0x9000004B  }
0x2d: {  	_ =	sfence  }
0x2e: {  	s30 =	sld [smem:$0x0];
	_ =	sdelay $0x2  }
0x2f: {  	s31 =	sshll.u32 s3, $0xD;
	s3 =	sshrl.u32 s3, $0x2  }
0x30: {  	s2 =	sand.u32 $0x4000, s31;
	s1 =	sadd.s32 s3, s30  }
0x31: {  	s0 =	sor.u32 s2, s0;
	s1 =	sshll.u32 s1, $0x11  }
0x32: {  	s0 =	sor.u32 s1, s0  }
0x33: {  	s0 =	sadd.s32 $0x8F2B, s0  }
0x34: {  	[sflag:s0] =	ssyncadd.remote.s32 $0x1  }
0x35: {  	_ =	sfence.sel $0xFFFF  }
0x36: {  	[dreg:$0x0] =	wrdreg $0xFFFFFFFF;
	(pc) =	sbr.abs _section_cstart, $3  }
0x37: {  	[dreg:$0x1] =	wrdreg $0xFFFFFFFF  }
0x38: {  	_ =	task.clear_ibuf [dreg:s6], $0x2FFFF;
	_ =	strace $0x9FFFFFFF  }
0x39: {  	(tm) =	ssettm $0x7FFFFFFF  }
tec
execute0_lowered:
.L_overlay_start_1:
0x0: {  	(tag) =	ssettag $0x1  }
0x1: {  	s0 =	srdreg.scid  }
0x2: {  	s1 =	sshll.u32 s0, $0x4  }
0x3: {  	s4 =	rddreg [dreg:$0x0];
	s0 =	stileid.u32;
	s1 =	sand.u32 $0x10, s1  }
0x4: {  	s7 =	simm.s32 $0x1;
	s8 =	simm.s32 $0x2;
	s1 =	sor.u32 s0, s1  }
0x5: {  	s11 =	simm.s32 $0x0;
	s10 =	simm.s32 $0x0;
	s2 =	sshll.u32 s1, $0x7  }
0x6: {  	s3 =	sadd.s32 $0xC00, s4;
	s4 =	sadd.s32 $0x1900C00, s4;
	s6 =	ssub.s32 $0x190000, s2  }
.Ltmp0:
0x7: {  	s1 =	rddreg [dreg:$0x1];
	s5 =	sand.u32 $0xF80, s6;
	(pc) =	sbr.rel .LBB1_1-.Ltmp0, $4  }
0x8: {  	_ =	strace $0x8000004A;
	s9 =	smov.u32 s2;
	p0 =	sne.s32 s5, $0x0  }
0x9: {  	s6 =	sshrl.u32 s6, $0xC;
	s5 =	simm.s32 $0x1;
	s7 =	simm.s32 @!p0 $0x0  }
0xa: {  	[sflag:s5] =	ssyncpa.u1 $0x0;
	p0 =	por $0x0, $0x0;
	s6 =	sadd.s32 s7, s6  }
0xb: {  	[sflag:s8] =	ssyncpa.u1 $0x0;
	s8 =	simm.s32 $0xC80000;
	s7 =	sadd.s32 $0x1, s6  }
.LBB1_4:
0xc: {  	s14 =	sshll.u32 s11, $0x3  }
0xd: {  	s30 =	sand.u32 $0x7F, s11;
	s15 =	sand.u32 $0xFFFFFC00, s14  }
0xe: {  	s11 =	sor.u32 s30, s15  }
0xf: {  	s15 =	smulhi.u32 $0x51EB851F, s11  }
0x10: {  	s14 =	smulhi.u32 $0x51EB851F, s14  }
0x11: {  	s15 =	sshrl.u32 s15, $0x13  }
0x12: {  	s14 =	sshrl.u32 s14, $0x13;
	s15 =	smul.u32 $0x190000, s15  }
0x13: {  	s14 =	sand.u32 $0x1F, s14  }
0x14: {  	s14 =	smul.u32 $0x32000, s14;
	s11 =	ssub.s32 s11, s15  }
0x15: {  	s15 =	sand.u32 $0x7, s11  }
0x16: {  	s14 =	sadd.s32 s4, s14;
	s11 =	sshrl.u32 s11, $0x3;
	s15 =	sshll.u32 s15, $0x12  }
0x17: {  	[tilespmem:s13+$0x0 ss:$0x81] =	vst.msk $0xffff, v0;
	s11 =	sadd.s32 s11, s14;
	s31 =	sor.u32 $0x400, s15  }
0x18: {  	[hbm4b:s11+s31] =	stream.strided.scatter [tilespmem:s12], [sflag:$0x2], $0x1000, s8, s31, $0x20;
	[tilespmem:$0x4040] =	vst v63  }
.LBB1_5:
0x19: {  	s13 =	sadd.s32 $0x1000, s9  }
0x1a: {  	p2 =	sgt.s32 s13, $0x18FFFF  }
0x1b: {  	s13 =	smov.u32 @p2 s2;
	p2 =	sne.s32 s10, s7  }
.Ltmp1:
0x1c: {  	p1 =	slt.u32 s10, $0x2;
	(pc) =	sbr.rel @!p2 .LBB1_6-.Ltmp1, $4  }
0x1d: {  	s12 =	simm.s32 @!p1 $0x2  }
0x1e: {  	s14 =	sadd.s32 $0x1, s10;
	_ =	swait.ge @!p1 [sflag:s12], $0x1000  }
0x1f: {  	s11 =	smov.u32 s9;
	p0 =	por !p0, !p0;
	[sflag:s12] =	ssyncset.done @!p1 $0x0  }
0x20: {  	s10 =	smov.u32 s14;
	s9 =	smov.u32 s13;
	[sflag:s12] =	ssyncadd.s32 @!p1 $0xFFFFF000  }
.LBB1_1:
0x21: {  	p1 =	sge.u32 s10, s6  }
0x22: {  	s12 =	sand.u32 @!p1 $0x1FFFFFF, s9  }
0x23: {  	s13 =	smulhi.u32 @!p1 $0x147AE15, s12;
	_ =	sdelay $0x1  }
0x24: {  	s13 =	sshrl.u32 @!p1 s13, $0xD  }
0x25: {  	s13 =	smul.u32 @!p1 $0x190000, s13;
	_ =	sdelay $0x1  }
0x26: {  	s31 =	sadd.s32 $0xFFFFFFFF, s10;
	s14 =	sxor.u32 @!p1 $0xFFFFFFFF, s10;
	s12 =	ssub.s32 @!p1 s12, s13  }
0x27: {  	s15 =	simm.s32 @!p1 $0x80;
	s14 =	sshll.u32 @!p1 s14, $0xC;
	s12 =	sshll.u32 @!p1 s12, $0x4  }
0x28: {  	s13 =	sand.u32 @!p1 $0x1000, s14;
	s14 =	simm.s32 @!p1 $0x20;
	s12 =	sadd.s32 @!p1 s3, s12  }
0x29: {  	[tilespmem:s13], [sflag:$0x1] =	stream.strided.gather @!p1 [hbm4b:s12+s14], $0x1000, s15, s14, $0x38;
	[tilespmem:$0x4040] =	vst v63  }
0x2a: {  	p1 =	sge.u32 s31, s6  }
.Ltmp2:
0x2b: {  	_ = 	snop;
	(pc) =	sbr.rel @p1 .LBB1_5-.Ltmp2, $1  }
0x2c: {  	_ =	sdelay $0x3  }
0x2d: {  	s12 =	simm.s32 $0x1  }
0x2e: {  	_ =	swait.ge [sflag:s5], $0x1000;
	s12 =	simm.s32 @!p0 $0x0  }
0x2f: {  	[sflag:s5] =	ssyncset.done $0x0;
	s13 =	sshll.u32 s12, $0xC  }
0x30: {  	[sflag:s5] =	ssyncadd.s32 $0xFFFFF000;
	s16 =	sor.u32 $0x10, s13  }
0x31: {  	s12 =	smul.u32 $0x4080, s12;
	v1 =	vld [tilespmem:s16+$0x0]  }
0x32: {  	s30 =	sand.u32 $0x1, s10;
	v0 =	vld [tilespmem:s16+$0xFFFFFFF0]  }
0x33: {  	s13 =	smul.u32 $0x4080, s30;
	s12 =	sshrl.u32 s12, $0x2  }
0x34: {  	s14 =	sor.u32 $0x2000, s12  }
0x35: {  	s31 =	sshrl.u32 s13, $0x2;
	s13 =	sadd.s32 $0x0, s14  }
0x36: {  	s15 =	simm.s32 $0x4;
	s16 =	sadd.s32 $0x20, s16;
	s12 =	sor.u32 $0x2000, s31;
	[tilespmem:s13+$0x810 ss:$0x81] =	vst.msk $0xffff, v1  }
.LBB1_3:
0x37: {  	v1 =	vld [tilespmem:s16+$0x0];
	p1 =	sne.s32 s15, $0x1FC;
	[tilespmem:s13+$0x0 ss:$0x81] =	vst.msk $0xffff, v0;
	s13 =	smov.u32 s15;
	s15 =	sadd.s32 $0x4, s15  }
.Ltmp3:
0x38: {  	v0 =	vld [tilespmem:s16+$0xFFFFFFF0];
	(pc) =	sbr.rel @p1 .LBB1_3-.Ltmp3, $4  }
0x39: {  	_ = 	snop  }
0x3a: {  	s13 =	sshra.s32 s13, $0x2  }
0x3b: {  	s13 =	sadd.s32 s13, s14  }
0x3c: {  	s16 =	sadd.s32 $0x20, s16;
	[tilespmem:s13+$0x810 ss:$0x81] =	vst.msk $0xffff, v1  }
.Ltmp4:
0x3d: {  	_ = 	snop;
	(pc) =	sbr.rel .LBB1_4-.Ltmp4, $1  }
0x3e: {  	_ =	sdelay $0x3  }
.LBB1_6:
0x3f: {  	_ =	sfence.sel $0x180000  }
0x40: {  	s2 =	simm.s32 $0x1;
	[bflag:$0x0] =	sbarrier.arrive $0xFFFF  }
0x41: {  	s31 =	simm.s32 $0x2;
	[sflag:s2] =	ssyncpa.u1 $0x1  }
0x42: {  	[sflag:s31] =	ssyncpa.u1 $0x1  }
0x43: {  	p0 =	sne.s32 s0, $0x0;
	_ =	strace $0x9000004A  }
0x44: {  	s0 =	sadd.s32 @!p0 $0x100000, s1;
	[bflag:$0x2] =	sbarrier.arrive $0xFFFF  }
0x45: {  	[sflag:s0] =	ssyncadd.tile.s32 @!p0 $0x1;
	_ =	shalt  }
.Lfunc_end1:
_tile_overlayer_lowered:
.L_overlay_start_2:
0x46: {  	(tag) =	ssettag $0x2  }
0x47: {  	s0 =	rddreg [dreg:$0x0];
	s2 =	stileid.u32  }
0x48: {  	s1 =	rddreg [dreg:$0x1];
	p0 =	sne.s32 s2, $0x0  }
0x49: {  	s3 =	rddreg [dreg:$0x2];
	[bflag:$0x3] =	sbarrier.arrive $0xFFFF;
	s2 =	simm.s32 @!p0 $0x1C01  }
0x4a: {  	[timem:s3], [sflag:s2] =	dma.local @!p0 [hbm:s0], s1  }
0x4b: {  	s0 =	simm.s32 @!p0 $0x1  }
0x4c: {  	_ =	swait.ge @!p0 [sflag:s0], s1  }
0x4d: {  	s1 =	ssub.s32 @!p0 $0x0, s1;
	[sflag:s0] =	ssyncset.done @!p0 $0x0  }
0x4e: {  	[sflag:s0] =	ssyncadd.s32 @!p0 s1  }
0x4f: {  	[bflag:$0x3] =	sbarrier.arrive $0xFFFF  }
0x50: {  	_ =	shalt  }

// kernel: sparse-core-data-format-call.cloned.1.call-start
scs
called_computation_lowered:
.L_overlay_start_0:
0x0: {  	s2 =	sld [smem:$0x3FD9]  }
0x1: {  	s3 =	sld [smem:$0x3FFE];
	_ =	sdelay $0x1  }
0x2: {  	s1 =	srdreg.scid  }
0x3: {  	s0 =	sand.u32 $0x1, s1  }
0x4: {  	s18 =	sshll.u32 s0, $0xA;
	s2 =	sadd.s32 s3, s2  }
0x5: {  	s2 =	sadd.s32 s2, s18  }
0x6: {  	[smem:$0x3FC5] =	sst s2  }
0x7: {  	_ = 	snop  }
0x8: {  	s2 =	sld [smem:$0x3FD0];
	(tm) =	ssettm $0x1  }
0x9: {  	s19 =	sld [smem:$0x3FFB];
	_ =	sdelay $0x3  }
0xa: {  	_ =	strace s19  }
0xb: {  	s3 =	sld [smem:$0x3FFC];
	_ =	sdelay $0x3  }
0xc: {  	_ =	strace s3  }
0xd: {  	s3 =	sld [smem:$0x3FFD];
	_ =	sdelay $0x3  }
0xe: {  	_ =	strace s3  }
0xf: {  	_ =	strace $0x8FFFFFFF  }
0x10: {  	s20 =	sld [smem:$0x3FDB];
	_ =	sdelay $0x1  }
0x11: {  	s4 =	simm.s32 $_scs_section_size  }
0x12: {  	s5 =	simm.s32 $_size__tile_overlayer_lowered;
	s6 =	simm.s32 $_tile_overlayer_lowered  }
0x13: {  	s23 =	simm.s32 $0x1BFF;
	s22 =	sshll.u32 s6, $0x1;
	s3 =	sadd.s32 s4, s20  }
0x14: {  	s7 =	simm.s32 $0x0;
	s21 =	sshll.u32 s5, $0x1;
	s5 =	sadd.s32 s22, s3  }
0x15: {  	[timem:s7], [sflag:s23] =	dma.local [hbm:s5], s21  }
0x16: {  	_ =	swait.ge [sflag:s23], s21  }
0x17: {  	s4 =	ssub.s32 $0x0, s21;
	[sflag:s23] =	ssyncset.done $0x0  }
0x18: {  	[sflag:s23] =	ssyncadd.s32 s4;
	_ =	sdelay $0x1  }
0x19: {  	s24 =	simm.s32 $0x1B8B  }
0x1a: {  	_ =	swait.ge [sflag:s24], $0x1  }
0x1b: {  	[sflag:s24] =	ssyncset.done $0x0  }
0x1c: {  	s26 =	simm.s32 $0x1B8E;
	s25 =	sld [smem:$0x3FFE];
	[sflag:s24] =	ssyncadd.s32 $0xFFFFFFFF  }
0x1d: {  	s27 =	simm.s32 $execute0_lowered;
	[smem:$0x3FD2] =	sst s26  }
0x1e: {  	s5 =	sshll.u32 s27, $0x1;
	_ =	strace $0x8000004C;
	[dreg:$0x1] =	wrdreg $0xFFFFFFFF  }
0x1f: {  	s28 =	simm.s32 $_size_execute0_lowered;
	s3 =	sadd.s32 s3, s5;
	[dreg:$0x0] =	wrdreg $0x0  }
0x20: {  	s5 =	sshll.u32 s28, $0x1;
	[dreg:$0x2] =	wrdreg s3  }
0x21: {  	[dreg:$0x3] =	wrdreg s5  }
0x22: {  	[dreg:$0x4] =	wrdreg $0xC0  }
0x23: {  	_ =	task [dreg:s7], $0x5FFFF  }
0x24: {  	[dreg:$0x1] =	wrdreg $0xFFFFFFFF  }
0x25: {  	[dreg:$0x0] =	wrdreg $0x60  }
0x26: {  	[dreg:$0x2] =	wrdreg s25  }
0x27: {  	[dreg:$0x3] =	wrdreg s2  }
0x28: {  	[dreg:$0x4] =	wrdreg $0x9  }
0x29: {  	_ =	task.clear_ibuf [dreg:s7], $0x5FFFF;
	_ =	strace $0x9000004C  }
0x2a: {  	s29 =	simm.s32 $0x9;
	_ =	strace $0x8000004E  }
0x2b: {  	_ =	swait.ge [sflag:s29], $0x1  }
0x2c: {  	[sflag:s29] =	ssyncadd.s32 $0xFFFFFFFF  }
0x2d: {  	_ =	strace $0x9000004E  }
0x2e: {  	_ =	sfence  }
0x2f: {  	s30 =	sld [smem:$0x0];
	_ =	sdelay $0x2  }
0x30: {  	s31 =	sshll.u32 s1, $0xD;
	s1 =	sshrl.u32 s1, $0x2  }
0x31: {  	s3 =	sand.u32 $0x4000, s31;
	s1 =	sadd.s32 s1, s30  }
0x32: {  	s0 =	sor.u32 s3, s0;
	s1 =	sshll.u32 s1, $0x11  }
0x33: {  	s0 =	sor.u32 s1, s0  }
0x34: {  	s0 =	sadd.s32 $0x8F2B, s0  }
0x35: {  	[sflag:s0] =	ssyncadd.remote.s32 $0x1  }
0x36: {  	_ =	sfence.sel $0xFFFF  }
0x37: {  	[dreg:$0x0] =	wrdreg $0xFFFFFFFF;
	(pc) =	sbr.abs _section_cstart, $3  }
0x38: {  	[dreg:$0x1] =	wrdreg $0xFFFFFFFF  }
0x39: {  	_ =	task.clear_ibuf [dreg:s7], $0x2FFFF;
	_ =	strace $0x9FFFFFFF  }
0x3a: {  	(tm) =	ssettm $0x7FFFFFFF  }
0x3b: {  	_ =	shalt  }
tec
execute0_lowered:
.L_overlay_start_1:
0x0: {  	(tag) =	ssettag $0x1  }
0x1: {  	s1 =	rddreg [dreg:$0x0]  }
0x2: {  	s2 =	rddreg [dreg:$0x1]  }
0x3: {  	s0 =	rddreg [dreg:$0x2]  }
0x4: {  	s4 =	srdreg.scid;
	_ =	strace $0x8000004D;
	s6 =	simm.s32 $0x2  }
0x5: {  	s12 =	simm.s32 $0x0;
	p0 =	por $0x0, $0x0;
	s13 =	simm.s32 $0x0  }
.Ltmp0:
0x6: {  	s8 =	simm.s32 $0x0;
	s9 =	simm.s32 $0x0;
	(pc) =	sbr.rel .LBB1_1-.Ltmp0, $4  }
0x7: {  	s10 =	simm.s32 $0x0;
	s3 =	sadd.s32 $0xC00, s1;
	s4 =	sshll.u32 s4, $0x4  }
0x8: {  	s1 =	stileid.u32;
	s5 =	sand.u32 $0x10, s4;
	s4 =	simm.s32 $0x1  }
0x9: {  	s7 =	simm.s32 $0x0;
	s5 =	sor.u32 s1, s5;
	[sflag:s4] =	ssyncpa.u1 $0x0  }
0xa: {  	[sflag:s6] =	ssyncpa.u1 $0x0;
	s6 =	simm.s32 $0x80000;
	s11 =	smov.u32 s5  }
.LBB1_5:
0xb: {  	p1 =	slt.u32 s7, $0x2  }
0xc: {  	s15 =	smov.u32 s13;
	p2 =	sgt.s32 @!p1 s13, $0x1F;
	s14 =	sshra.s32 @!p1 s13, $0x1F  }
0xd: {  	p3 =	sgt.s32 @!p1 s12, $0x3F80;
	s16 =	sshra.s32 @!p1 s12, $0x1F;
	p2 =	por !p2, p1  }
0xe: {  	s13 =	sand.u32 @!p1 s14, s13;
	p3 =	por !p3, p1;
	s14 =	smov.u32 s12  }
0xf: {  	s12 =	sand.u32 @!p1 s16, s12;
	s15 =	simm.s32 @p2 $0x1F;
	s14 =	simm.s32 @p3 $0x3F80  }
0x10: {  	s16 =	smov.u32 s11;
	s13 =	ssub.s32 @!p1 s15, s13;
	s12 =	ssub.s32 @!p1 s14, s12  }
0x11: {  	s14 =	sadd.s32 @!p1 $0xFFFFFFE1, s13;
	s13 =	ssub.s32 @!p1 $0x20, s13;
	s15 =	sadd.s32 @!p1 $0xFFFFC080, s12  }
0x12: {  	p2 =	sgt.s32 @!p1 s14, $0x0;
	s13 =	smul.u32 @!p1 $0x64, s13;
	p3 =	sgt.s32 @!p1 s15, $0x7F  }
0x13: {  	s12 =	ssub.s32 @!p1 $0x4000, s12;
	p2 =	por !p2, p1;
	p3 =	por !p3, p1  }
0x14: {  	s14 =	sadd.s32 $0x80, s10;
	s13 =	simm.s32 @!p2 $0x0;
	s12 =	simm.s32 @!p3 $0x0  }
0x15: {  	p2 =	sgt.s32 s14, $0x3FFF;
	s12 =	smul.u32 @!p1 s12, s13;
	s13 =	sadd.s32 $0x20, s11  }
0x16: {  	s16 =	smov.u32 @p2 s13  }
0x17: {  	s7 =	sadd.s32 $0x1, s7;
	s14 =	simm.s32 @p2 $0x0;
	p2 =	sgt.s32 s16, $0x1F  }
0x18: {  	s16 =	smov.u32 @p2 s5;
	p2 =	sne.s32 s7, $0x82  }
.Ltmp1:
0x19: {  	p0 =	por !p0, !p0;
	(pc) =	sbr.rel @!p2 .LBB1_6-.Ltmp1, $4  }
0x1a: {  	s15 =	simm.s32 @!p1 $0x2;
	s13 =	smov.u32 s9;
	s12 =	sand.u32 @!p1 $0x3FFFFFFC, s12  }
0x1b: {  	s9 =	smov.u32 s11;
	_ =	swait.ge @!p1 [sflag:s15], s12;
	s17 =	ssub.s32 @!p1 $0x0, s12  }
0x1c: {  	s12 =	smov.u32 s8;
	s8 =	smov.u32 s10;
	[sflag:s15] =	ssyncset.done @!p1 $0x0  }
0x1d: {  	s10 =	smov.u32 s14;
	s11 =	smov.u32 s16;
	[sflag:s15] =	ssyncadd.s32 @!p1 s17  }
.LBB1_1:
0x1e: {  	p1 =	sgt.u32 s7, $0x7F  }
0x1f: {  	s14 =	sxor.u32 @!p1 $0xFFFFFFFF, s7;
	s15 =	sshll.u32 @!p1 s11, $0x12;
	s16 =	sshll.u32 @!p1 s10, $0x4  }
0x20: {  	s14 =	sshll.u32 @!p1 s14, $0xE;
	s16 =	sand.u32 @!p1 $0x3FFF0, s16;
	s15 =	sadd.s32 @!p1 s3, s15  }
0x21: {  	s14 =	sand.u32 @!p1 $0x4000, s14;
	s15 =	sadd.s32 @!p1 s16, s15;
	s16 =	simm.s32 @!p1 $0x0  }
0x22: {  	[tilespmem:s14], [sflag:$0x1] =	stream.linear.gather @!p1 [hbm4b:s15+s16], $0x4000, $0x38;
	[tilespmem:$0x10100] =	vst v63  }
0x23: {  	p1 =	seq.s32 s7, $0x0  }
0x24: {  	p2 =	seq.s32 @!p1 s7, $0x81  }
0x25: {  	p1 =	por p1, p2  }
.Ltmp2:
0x26: {  	_ = 	snop;
	(pc) =	sbr.rel @p1 .LBB1_5-.Ltmp2, $1  }
0x27: {  	_ =	sdelay $0x3  }
0x28: {  	s14 =	simm.s32 $0x1  }
0x29: {  	_ =	swait.ge [sflag:s4], $0x4000;
	s14 =	simm.s32 @!p0 $0x0  }
0x2a: {  	[sflag:s4] =	ssyncset.done $0x0;
	s15 =	sshll.u32 s14, $0xE  }
0x2b: {  	[sflag:s4] =	ssyncadd.s32 $0xFFFFC000;
	s15 =	sor.u32 $0x40, s15  }
0x2c: {  	s14 =	smul.u32 $0x10200, s14;
	v0 =	vld [tilespmem:s15+$0x30]  }
0x2d: {  	v1 =	vld [tilespmem:s15+$0xFFFFFFD0]  }
0x2e: {  	s14 =	sshrl.u32 s14, $0x2;
	v5 =	vld [tilespmem:s15+$0xFFFFFFE0]  }
0x2f: {  	v6 =	vld [tilespmem:s15+$0xFFFFFFF0];
	s17 =	sor.u32 $0x8000, s14  }
0x30: {  	s31 =	sand.u32 $0x1, s7;
	v4 =	vld [tilespmem:s15+$0x0];
	s16 =	sadd.s32 $0x0, s17  }
0x31: {  	v3 =	vld [tilespmem:s15+$0x10];
	s14 =	smul.u32 $0x10200, s31;
	[tilespmem:s16+$0x3870 ss:$0x81] =	vst.msk $0xffff, v0  }
0x32: {  	v2 =	vld [tilespmem:s15+$0x20];
	[tilespmem:s16+$0x810 ss:$0x81] =	vst.msk $0xffff, v1  }
0x33: {  	s14 =	sshrl.u32 s14, $0x2;
	v1 =	vld [tilespmem:s15+$0xFFFFFFC0];
	[tilespmem:s16+$0x1020 ss:$0x81] =	vst.msk $0xffff, v5;
	s15 =	sadd.s32 $0x80, s15  }
0x34: {  	s18 =	simm.s32 $0x4;
	s19 =	simm.s32 $0x8;
	s14 =	sor.u32 $0x8000, s14;
	[tilespmem:s16+$0x1830 ss:$0x81] =	vst.msk $0xffff, v6;
	v0 =	vld [tilespmem:s15+$0x30]  }
.LBB1_3:
0x35: {  	p1 =	sne.s32 s19, $0x1FC;
	v5 =	vld [tilespmem:s15+$0xFFFFFFD0];
	[tilespmem:s16+$0x2040 ss:$0x81] =	vst.msk $0xffff, v4  }
0x36: {  	v6 =	vld [tilespmem:s15+$0xFFFFFFE0];
	[tilespmem:s16+$0x2850 ss:$0x81] =	vst.msk $0xffff, v3  }
0x37: {  	s20 =	sshra.s32 s18, $0x2;
	s18 =	smov.u32 s19;
	v7 =	vld [tilespmem:s15+$0xFFFFFFF0];
	[tilespmem:s16+$0x3060 ss:$0x81] =	vst.msk $0xffff, v2  }
.Ltmp3:
0x38: {  	v4 =	vld [tilespmem:s15+$0x0];
	[tilespmem:s16+$0x0 ss:$0x81] =	vst.msk $0xffff, v1;
	s16 =	sadd.s32 s20, s17;
	(pc) =	sbr.rel @p1 .LBB1_3-.Ltmp3, $4  }
0x39: {  	v3 =	vld [tilespmem:s15+$0x10];
	[tilespmem:s16+$0x3870 ss:$0x81] =	vst.msk $0xffff, v0  }
0x3a: {  	[tilespmem:s16+$0x810 ss:$0x81] =	vst.msk $0xffff, v5;
	v2 =	vld [tilespmem:s15+$0x20]  }
0x3b: {  	v1 =	vld [tilespmem:s15+$0xFFFFFFC0];
	[tilespmem:s16+$0x1020 ss:$0x81] =	vst.msk $0xffff, v6;
	s15 =	sadd.s32 $0x80, s15  }
0x3c: {  	s19 =	sadd.s32 $0x4, s19;
	v0 =	vld [tilespmem:s15+$0x30];
	[tilespmem:s16+$0x1830 ss:$0x81] =	vst.msk $0xffff, v7  }
0x3d: {  	s18 =	sshra.s32 s18, $0x2;
	s22 =	sshll.u32 s9, $0xE  }
0x3e: {  	p1 =	sgt.s32 s9, $0x1F;
	s19 =	smov.u32 s9;
	s20 =	sshra.s32 s9, $0x1F  }
0x3f: {  	s21 =	sshra.s32 s8, $0x1F;
	s24 =	sshll.u32 s8, $0x3;
	s26 =	sshll.u32 s9, $0x7  }
0x40: {  	v5 =	vld [tilespmem:s15+$0xFFFFFFD0];
	[tilespmem:s16+$0x2040 ss:$0x81] =	vst.msk $0xffff, v4;
	s27 =	sand.u32 $0x78, s8;
	s17 =	sadd.s32 s18, s17;
	s18 =	sand.u32 $0x60000, s22  }
0x41: {  	v58 =	vld [tilespmem:s15+$0xFFFFFFE0];
	s19 =	simm.s32 @!p1 $0x1F;
	s20 =	sand.u32 s20, s9;
	[tilespmem:s16+$0x2850 ss:$0x81] =	vst.msk $0xffff, v3;
	p1 =	sgt.s32 s8, $0x3F80  }
0x42: {  	v59 =	vld [tilespmem:s15+$0xFFFFFFF0];
	s21 =	sand.u32 s21, s8;
	s19 =	ssub.s32 s19, s20;
	s20 =	smov.u32 s8;
	[tilespmem:s16+$0x3060 ss:$0x81] =	vst.msk $0xffff, v2  }
0x43: {  	v60 =	vld [tilespmem:s15+$0x0];
	s18 =	sadd.s32 s18, s24;
	s22 =	ssub.s32 $0x20, s19;
	s20 =	simm.s32 @!p1 $0x3F80;
	[tilespmem:s16+$0x0 ss:$0x81] =	vst.msk $0xffff, v1  }
0x44: {  	v61 =	vld [tilespmem:s15+$0x10];
	s23 =	sadd.s32 $0xFFFFFFE1, s19;
	s16 =	sand.u32 $0x380, s26;
	s28 =	sand.u32 $0x7C000, s18;
	[tilespmem:s17+$0x3870 ss:$0x81] =	vst.msk $0xffff, v0  }
0x45: {  	v62 =	vld [tilespmem:s15+$0x20];
	s19 =	smul.u32 $0x64, s22;
	s20 =	ssub.s32 s20, s21;
	p1 =	sgt.s32 s23, $0x0;
	[tilespmem:s17+$0x810 ss:$0x81] =	vst.msk $0xffff, v5  }
0x46: {  	v63 =	vld [tilespmem:s15+$0xFFFFFFC0];
	s21 =	sand.u32 $0x3C00, s24;
	s15 =	sor.u32 s16, s27;
	s25 =	sadd.s32 $0xFFFFC080, s20;
	[tilespmem:s17+$0x1020 ss:$0x81] =	vst.msk $0xffff, v58  }
0x47: {  	[tilespmem:s17+$0x1830 ss:$0x81] =	vst.msk $0xffff, v59;
	s20 =	ssub.s32 $0x4000, s20;
	s19 =	simm.s32 @p1 $0x0;
	p1 =	sgt.s32 s25, $0x7F  }
.Ltmp4:
0x48: {  	[tilespmem:s17+$0x2040 ss:$0x81] =	vst.msk $0xffff, v60;
	s15 =	sor.u32 s21, s15;
	s20 =	simm.s32 @p1 $0x0;
	(pc) =	sbr.rel .LBB1_5-.Ltmp4, $4  }
0x49: {  	s30 =	sand.u32 $0x7, s8;
	[tilespmem:s17+$0x2850 ss:$0x81] =	vst.msk $0xffff, v61;
	s15 =	sor.u32 s28, s15;
	s29 =	smul.u32 s20, s19  }
0x4a: {  	s16 =	sshll.u32 s30, $0x12;
	[tilespmem:s17+$0x3060 ss:$0x81] =	vst.msk $0xffff, v62;
	s15 =	sshrl.u32 s15, $0x3  }
0x4b: {  	[tilespmem:s17+$0x0 ss:$0x81] =	vst.msk $0xffff, v63;
	s16 =	sor.u32 $0x80, s16;
	s15 =	sadd.s32 s2, s15;
	s31 =	sand.u32 $0x3FFFFFFC, s29  }
0x4c: {  	[hbm4b:s15+s16] =	stream.strided.scatter [tilespmem:s14], [sflag:$0x2], s31, s6, s16, $0x20;
	[tilespmem:$0x10100] =	vst v63  }
.LBB1_6:
0x4d: {  	_ =	sfence.sel $0x180000  }
0x4e: {  	s2 =	simm.s32 $0x1;
	[bflag:$0x0] =	sbarrier.arrive $0xFFFF  }
0x4f: {  	s31 =	simm.s32 $0x2;
	[sflag:s2] =	ssyncpa.u1 $0x1  }
0x50: {  	[sflag:s31] =	ssyncpa.u1 $0x1  }
0x51: {  	p0 =	sne.s32 s1, $0x0;
	_ =	strace $0x9000004D  }
0x52: {  	s0 =	sadd.s32 @!p0 $0x100000, s0;
	[bflag:$0x2] =	sbarrier.arrive $0xFFFF  }
0x53: {  	[sflag:s0] =	ssyncadd.tile.s32 @!p0 $0x1;
	_ =	shalt  }
.Lfunc_end1:
_tile_overlayer_lowered:
.L_overlay_start_2:
0x54: {  	(tag) =	ssettag $0x2  }
0x55: {  	s0 =	rddreg [dreg:$0x0];
	s2 =	stileid.u32  }
0x56: {  	s1 =	rddreg [dreg:$0x1];
	p0 =	sne.s32 s2, $0x0  }
0x57: {  	s3 =	rddreg [dreg:$0x2];
	[bflag:$0x3] =	sbarrier.arrive $0xFFFF;
	s2 =	simm.s32 @!p0 $0x1C01  }
0x58: {  	[timem:s3], [sflag:s2] =	dma.local @!p0 [hbm:s0], s1  }
0x59: {  	s0 =	simm.s32 @!p0 $0x1  }
0x5a: {  	_ =	swait.ge @!p0 [sflag:s0], s1  }
0x5b: {  	s1 =	ssub.s32 @!p0 $0x0, s1;
	[sflag:s0] =	ssyncset.done @!p0 $0x0  }
0x5c: {  	[sflag:s0] =	ssyncadd.s32 @!p0 s1  }
0x5d: {  	[bflag:$0x3] =	sbarrier.arrive $0xFFFF  }
0x5e: {  	_ =	shalt  }

</sc_bundles>
